<compile_context>
chip_gen: v7x
topology: tpu7x:2x2x1
jax: 0.10.2.dev20260603
libtpu: 0.0.44.dev20260713+nightly
codegen_flags: <defaults>
</compile_context>

<pallas_src>
import functools

import jax
import jax.numpy as jnp
from jax import lax
from jax.experimental import pallas as pl
from jax.experimental.pallas import tpu as pltpu
from jax.experimental.pallas import tpu_sc as plsc

NC = 2
NS = 16
L = 16
NW = NC * NS

B = 16384
D = 32
NT = 1000000
BPW = B // NW
GPW = BPW // L
BN = 35840

_mesh = plsc.VectorSubcoreMesh(core_axis_name="c", subcore_axis_name="s")


def _sweep_body(ut_ref, it_ref, wu_ref, wi_ref, su_ref, si_ref):
    su_ref[...] = jnp.dot(wu_ref[...], ut_ref[...],
                          preferred_element_type=jnp.float32)[0]
    si_ref[...] = jnp.dot(wi_ref[...], it_ref[...],
                          preferred_element_type=jnp.float32)[0]


_sweep = pl.pallas_call(
    _sweep_body,
    grid=(pl.cdiv(NT, BN),),
    in_specs=[
        pl.BlockSpec((D, BN), lambda i: (0, i)),
        pl.BlockSpec((D, BN), lambda i: (0, i)),
        pl.BlockSpec((1, D), lambda i: (0, 0)),
        pl.BlockSpec((1, D), lambda i: (0, 0)),
    ],
    out_specs=[
        pl.BlockSpec((BN,), lambda i: (i,)),
        pl.BlockSpec((BN,), lambda i: (i,)),
    ],
    out_shape=[jax.ShapeDtypeStruct((NT,), jnp.float32)] * 2,
)


@functools.partial(
    pl.kernel,
    out_type=jax.ShapeDtypeStruct((B,), jnp.float32),
    mesh=_mesh,
    scratch_types=[
        pltpu.VMEM((BPW,), jnp.int32),
        pltpu.VMEM((BPW,), jnp.int32),
        pltpu.VMEM((BPW,), jnp.float32),
        pltpu.VMEM((BPW,), jnp.float32),
        pltpu.VMEM((L,), jnp.float32),
        pltpu.VMEM((BPW,), jnp.float32),
        pltpu.SemaphoreType.DMA,
        pltpu.SemaphoreType.DMA,
    ],
    compiler_params=pltpu.CompilerParams(needs_layout_passes=False),
)
def _gather_sc(uids, iids, su, si, bb, out,
               uidx_v, iidx_v, sug_v, sig_v, b_v, out_v, sem_u, sem_i):
    wid = lax.axis_index("s") * NC + lax.axis_index("c")
    base = wid * BPW

    pltpu.sync_copy(uids.at[pl.ds(base, BPW)], uidx_v)
    pltpu.sync_copy(iids.at[pl.ds(base, BPW)], iidx_v)
    cu = pltpu.async_copy(su.at[uidx_v], sug_v, sem_u)
    ci = pltpu.async_copy(si.at[iidx_v], sig_v, sem_i)
    pltpu.sync_copy(bb, b_v)
    cu.wait()
    ci.wait()

    def group(g, carry):
        sl = pl.ds(g * L, L)
        out_v[sl] = sug_v[sl] + sig_v[sl] + b_v[...]
        return carry

    lax.fori_loop(0, GPW, group, 0)

    pltpu.sync_copy(out_v, out.at[pl.ds(base, BPW)])


def kernel(user_ids, item_ids, user_table, item_table, W, b):
    ut = user_table.T
    it = item_table.T
    wu = W[:, :D]
    wi = W[:, D:]
    su, si = _sweep(ut, it, wu, wi)
    bb = jnp.broadcast_to(b, (L,))
    out = _gather_sc(user_ids, item_ids, su, si, bb)
    return out.reshape(B, 1)

# --- scband reference (transcript-rebuilt; emitter-appended) ---
"""Pipeline reference for scband-simple-ncf-33346126086589 (READ-ONLY COPY).

The authoritative reference and input builder live on the scoring server;
editing this copy changes nothing except your own understanding.
"""

import jax, jax.numpy as jnp
import numpy as np

N_USERS = 1000000
N_ITEMS = 1000000
EMB_DIM = 32
BATCH = 16384


def setup_inputs(seed: int = 0) -> dict:
    key = jax.random.key(seed)
    k_u, k_i, k_ue, k_ie, k_w, k_b = jax.random.split(key, 6)
    user_ids = jax.random.randint(k_u, (BATCH,), 0, N_USERS, dtype=jnp.int64 if jax.config.jax_enable_x64 else jnp.int32).astype(jnp.int32)
    item_ids = jax.random.randint(k_i, (BATCH,), 0, N_ITEMS, dtype=jnp.int64 if jax.config.jax_enable_x64 else jnp.int32).astype(jnp.int32)
    user_table = jax.random.normal(k_ue, (N_USERS, EMB_DIM), dtype=jnp.float32)
    item_table = jax.random.normal(k_ie, (N_ITEMS, EMB_DIM), dtype=jnp.float32)
    # nn.Linear(2*emb_dim, 1): weight [1, 64], bias [1]
    bound = 1.0 / np.sqrt(2 * EMB_DIM)
    W = jax.random.uniform(k_w, (1, 2 * EMB_DIM), dtype=jnp.float32, minval=-bound, maxval=bound)
    b = jax.random.uniform(k_b, (1,), dtype=jnp.float32, minval=-bound, maxval=bound)
    return {"user_ids": user_ids, "item_ids": item_ids, "user_table": user_table, "item_table": item_table, "W": W, "b": b}


def reference(user_ids, item_ids, user_table, item_table, W, b):
    u_emb = jnp.take(user_table, user_ids, axis=0)  # [B, 32]
    i_emb = jnp.take(item_table, item_ids, axis=0)  # [B, 32]
    x = jnp.concatenate([u_emb, i_emb], axis=1)      # [B, 64]
    output = x @ W.T + b                             # [B, 1]
    return output

if __name__ == "__main__":
    import jax
    _d = setup_inputs()
    print(jax.jit(kernel)(*tuple(_d.values())))

</pallas_src>

<mosaic_0001>
#map = affine_map<(d0, d1) -> (0)>
module attributes {stable_mosaic.version = 14 : i64} {
  func.func @_gather_sc(%arg0: i32, %arg1: i32, %arg2: memref<16384xi32, #tpu.memory_space<hbm>>, %arg3: memref<16384xi32, #tpu.memory_space<hbm>>, %arg4: memref<1000000xf32, #tpu.memory_space<hbm>>, %arg5: memref<1000000xf32, #tpu.memory_space<hbm>>, %arg6: memref<16xf32, #tpu.memory_space<hbm>>, %arg7: memref<16384xf32, #tpu.memory_space<hbm>>, %arg8: memref<512xi32, #tpu.memory_space<vmem>>, %arg9: memref<512xi32, #tpu.memory_space<vmem>>, %arg10: memref<512xf32, #tpu.memory_space<vmem>>, %arg11: memref<512xf32, #tpu.memory_space<vmem>>, %arg12: memref<16xf32, #tpu.memory_space<vmem>>, %arg13: memref<512xf32, #tpu.memory_space<vmem>>, %arg14: memref<!tpu.dma_semaphore, #tpu.memory_space<semaphore_mem>>, %arg15: memref<!tpu.dma_semaphore, #tpu.memory_space<semaphore_mem>>) attributes {dimension_semantics = [#tpu.dimension_semantics<core_parallel>, #tpu.dimension_semantics<subcore_parallel>], iteration_bounds = array<i64: 2, 16>, scalar_prefetch = 0 : i64, scratch_operands = 8 : i64, tpu.core_type = #tpu.core_type<sc_vector_subcore>, window_params = [{transform_indices = #map}, {transform_indices = #map}, {transform_indices = #map}, {transform_indices = #map}, {transform_indices = #map}, {transform_indices = #map}]} {
    %mul3A = arith.constant 2 : i32
    %mul3A_0 = arith.muli %arg1, %mul3A : i32
    %add3A = arith.addi %mul3A_0, %arg0 : i32
    %mul3A_1 = arith.constant 512 : i32
    %mul3A_2 = arith.muli %add3A, %mul3A_1 : i32
    "tpu.region"() ({
      %run_scoped3A = tpu.sem_alloc : memref<!tpu.dma_semaphore, #tpu.memory_space<semaphore_mem>>
      %dma_start3A_14 = tpu.memref_slice %arg2[%mul3A_2] : memref<16384xi32, #tpu.memory_space<hbm>> -> memref<512xi32, #tpu.memory_space<hbm>>
      %dma_start3A_15 = tpu.memref_slice %arg2[%mul3A_2] : memref<16384xi32, #tpu.memory_space<hbm>> -> memref<512xi32, #tpu.memory_space<hbm>>
      tpu.enqueue_dma source(%dma_start3A_15 : memref<512xi32, #tpu.memory_space<hbm>>) target(%arg8 : memref<512xi32, #tpu.memory_space<vmem>>) target_semaphore(%run_scoped3A : memref<!tpu.dma_semaphore, #tpu.memory_space<semaphore_mem>>)
      %dma_wait3A_16 = tpu.memref_slice %arg2[%mul3A_2] : memref<16384xi32, #tpu.memory_space<hbm>> -> memref<512xi32, #tpu.memory_space<hbm>>
      %dma_wait3A_17 = tpu.memref_slice %arg2[%mul3A_2] : memref<16384xi32, #tpu.memory_space<hbm>> -> memref<512xi32, #tpu.memory_space<hbm>>
      tpu.wait_dma2 semaphore(%run_scoped3A : memref<!tpu.dma_semaphore, #tpu.memory_space<semaphore_mem>>) src(%dma_wait3A_17 : memref<512xi32, #tpu.memory_space<hbm>>) dst(%arg8 : memref<512xi32, #tpu.memory_space<vmem>>)
      tpu.yield
    }) : () -> ()
    "tpu.region"() ({
      %run_scoped3A = tpu.sem_alloc : memref<!tpu.dma_semaphore, #tpu.memory_space<semaphore_mem>>
      %dma_start3A_14 = tpu.memref_slice %arg3[%mul3A_2] : memref<16384xi32, #tpu.memory_space<hbm>> -> memref<512xi32, #tpu.memory_space<hbm>>
      %dma_start3A_15 = tpu.memref_slice %arg3[%mul3A_2] : memref<16384xi32, #tpu.memory_space<hbm>> -> memref<512xi32, #tpu.memory_space<hbm>>
      tpu.enqueue_dma source(%dma_start3A_15 : memref<512xi32, #tpu.memory_space<hbm>>) target(%arg9 : memref<512xi32, #tpu.memory_space<vmem>>) target_semaphore(%run_scoped3A : memref<!tpu.dma_semaphore, #tpu.memory_space<semaphore_mem>>)
      %dma_wait3A_16 = tpu.memref_slice %arg3[%mul3A_2] : memref<16384xi32, #tpu.memory_space<hbm>> -> memref<512xi32, #tpu.memory_space<hbm>>
      %dma_wait3A_17 = tpu.memref_slice %arg3[%mul3A_2] : memref<16384xi32, #tpu.memory_space<hbm>> -> memref<512xi32, #tpu.memory_space<hbm>>
      tpu.wait_dma2 semaphore(%run_scoped3A : memref<!tpu.dma_semaphore, #tpu.memory_space<semaphore_mem>>) src(%dma_wait3A_17 : memref<512xi32, #tpu.memory_space<hbm>>) dst(%arg9 : memref<512xi32, #tpu.memory_space<vmem>>)
      tpu.yield
    }) : () -> ()
    %dma_start3A = arith.constant 0 : i32
    %dma_start3A_3 = tpu.memref_slice %arg4[%dma_start3A] : memref<1000000xf32, #tpu.memory_space<hbm>> -> memref<1000000xf32, #tpu.memory_space<hbm>>
    tpu.enqueue_indirect_dma source(%dma_start3A_3 : memref<1000000xf32, #tpu.memory_space<hbm>>) target(%arg10 : memref<512xf32, #tpu.memory_space<vmem>>) offsets(%arg8 : memref<512xi32, #tpu.memory_space<vmem>>) semaphore(%arg14 : memref<!tpu.dma_semaphore, #tpu.memory_space<semaphore_mem>>)
    %dma_start3A_4 = arith.constant 0 : i32
    %dma_start3A_5 = tpu.memref_slice %arg5[%dma_start3A_4] : memref<1000000xf32, #tpu.memory_space<hbm>> -> memref<1000000xf32, #tpu.memory_space<hbm>>
    tpu.enqueue_indirect_dma source(%dma_start3A_5 : memref<1000000xf32, #tpu.memory_space<hbm>>) target(%arg11 : memref<512xf32, #tpu.memory_space<vmem>>) offsets(%arg9 : memref<512xi32, #tpu.memory_space<vmem>>) semaphore(%arg15 : memref<!tpu.dma_semaphore, #tpu.memory_space<semaphore_mem>>)
    "tpu.region"() ({
      %run_scoped3A = tpu.sem_alloc : memref<!tpu.dma_semaphore, #tpu.memory_space<semaphore_mem>>
      tpu.enqueue_dma source(%arg6 : memref<16xf32, #tpu.memory_space<hbm>>) target(%arg12 : memref<16xf32, #tpu.memory_space<vmem>>) target_semaphore(%run_scoped3A : memref<!tpu.dma_semaphore, #tpu.memory_space<semaphore_mem>>)
      tpu.wait_dma2 semaphore(%run_scoped3A : memref<!tpu.dma_semaphore, #tpu.memory_space<semaphore_mem>>) src(%arg6 : memref<16xf32, #tpu.memory_space<hbm>>) dst(%arg12 : memref<16xf32, #tpu.memory_space<vmem>>)
      tpu.yield
    }) : () -> ()
    %dma_wait3A = arith.constant 0 : i32
    %dma_wait3A_6 = tpu.memref_slice %arg4[%dma_wait3A] : memref<1000000xf32, #tpu.memory_space<hbm>> -> memref<1000000xf32, #tpu.memory_space<hbm>>
    tpu.wait_indirect_dma semaphore(%arg14 : memref<!tpu.dma_semaphore, #tpu.memory_space<semaphore_mem>>) src(%dma_wait3A_6 : memref<1000000xf32, #tpu.memory_space<hbm>>) dst(%arg10 : memref<512xf32, #tpu.memory_space<vmem>>)
    %dma_wait3A_7 = arith.constant 0 : i32
    %dma_wait3A_8 = tpu.memref_slice %arg5[%dma_wait3A_7] : memref<1000000xf32, #tpu.memory_space<hbm>> -> memref<1000000xf32, #tpu.memory_space<hbm>>
    tpu.wait_indirect_dma semaphore(%arg15 : memref<!tpu.dma_semaphore, #tpu.memory_space<semaphore_mem>>) src(%dma_wait3A_8 : memref<1000000xf32, #tpu.memory_space<hbm>>) dst(%arg11 : memref<512xf32, #tpu.memory_space<vmem>>)
    %scan3A = arith.constant 0 : i32
    %scan3A_9 = arith.constant 0 : i32
    %scan3A_10 = arith.constant 32 : i32
    %scan3A_11 = arith.addi %scan3A_9, %scan3A_10 : i32
    %scan3A_12 = arith.constant 1 : i32
    scf.for %scan3A_14 = %scan3A_9 to %scan3A_11 step %scan3A_12  : i32 {
      %mul3A_15 = arith.constant 16 : i32
      %mul3A_16 = arith.muli %scan3A_14, %mul3A_15 : i32
      %get3A = arith.index_cast %mul3A_16 : i32 to index
      %get3A_17 = tpu.vector_load %arg10[%get3A] {strides = array<i32>} : memref<512xf32, #tpu.memory_space<vmem>>, vector<16xf32>,
      %get3A_18 = arith.index_cast %mul3A_16 : i32 to index
      %get3A_19 = tpu.vector_load %arg11[%get3A_18] {strides = array<i32>} : memref<512xf32, #tpu.memory_space<vmem>>, vector<16xf32>,
      %add3A_20 = arith.addf %get3A_17, %get3A_19 : vector<16xf32>
      %get3A_21 = arith.constant 0 : index
      %get3A_22 = tpu.vector_load %arg12[%get3A_21] {strides = array<i32>} : memref<16xf32, #tpu.memory_space<vmem>>, vector<16xf32>,
      %add3A_23 = arith.addf %add3A_20, %get3A_22 : vector<16xf32>
      %swap3A = arith.index_cast %mul3A_16 : i32 to index
      %swap3A_24 = tpu.vector_load %arg13[%swap3A] {strides = array<i32>} : memref<512xf32, #tpu.memory_space<vmem>>, vector<16xf32>,
      tpu.vector_store %arg13[%swap3A], %add3A_23 {strides = array<i32>} : memref<512xf32, #tpu.memory_space<vmem>>, vector<16xf32>,
    }
    %scan3A_13 = arith.constant 32 : i32
    "tpu.region"() ({
      %run_scoped3A = tpu.sem_alloc : memref<!tpu.dma_semaphore, #tpu.memory_space<semaphore_mem>>
      %dma_start3A_14 = tpu.memref_slice %arg7[%mul3A_2] : memref<16384xf32, #tpu.memory_space<hbm>> -> memref<512xf32, #tpu.memory_space<hbm>>
      %dma_start3A_15 = tpu.memref_slice %arg7[%mul3A_2] : memref<16384xf32, #tpu.memory_space<hbm>> -> memref<512xf32, #tpu.memory_space<hbm>>
      tpu.enqueue_dma source(%arg13 : memref<512xf32, #tpu.memory_space<vmem>>) target(%dma_start3A_15 : memref<512xf32, #tpu.memory_space<hbm>>) target_semaphore(%run_scoped3A : memref<!tpu.dma_semaphore, #tpu.memory_space<semaphore_mem>>)
      %dma_wait3A_16 = tpu.memref_slice %arg7[%mul3A_2] : memref<16384xf32, #tpu.memory_space<hbm>> -> memref<512xf32, #tpu.memory_space<hbm>>
      %dma_wait3A_17 = tpu.memref_slice %arg7[%mul3A_2] : memref<16384xf32, #tpu.memory_space<hbm>> -> memref<512xf32, #tpu.memory_space<hbm>>
      tpu.wait_dma2 semaphore(%run_scoped3A : memref<!tpu.dma_semaphore, #tpu.memory_space<semaphore_mem>>) src(%arg13 : memref<512xf32, #tpu.memory_space<vmem>>) dst(%dma_wait3A_17 : memref<512xf32, #tpu.memory_space<hbm>>)
      tpu.yield
    }) : () -> ()
    return
  }
}

module attributes {stable_mosaic.version = 14 : i64} {
  func.func @_sweep_body(%arg0: i32, %arg1: memref<32x35840xf32, #tpu.memory_space<vmem>>, %arg2: memref<32x35840xf32, #tpu.memory_space<vmem>>, %arg3: memref<1x32xf32, #tpu.memory_space<vmem>>, %arg4: memref<1x32xf32, #tpu.memory_space<vmem>>, %arg5: memref<35840xf32, #tpu.memory_space<vmem>>, %arg6: memref<35840xf32, #tpu.memory_space<vmem>>) attributes {dimension_semantics = [#tpu.dimension_semantics<arbitrary>], iteration_bounds = array<i64: 28>, scalar_prefetch = 0 : i64, scratch_operands = 0 : i64, tpu.core_type = #tpu.core_type<tc>, window_params = [{transform_indices = @transform_0, window_bounds = array<i64: 32, 35840>}, {transform_indices = @transform_1, window_bounds = array<i64: 32, 35840>}, {pipeline_mode = #tpu.pipeline_mode<synchronous>, transform_indices = @transform_2, window_bounds = array<i64: 1, 32>}, {pipeline_mode = #tpu.pipeline_mode<synchronous>, transform_indices = @transform_3, window_bounds = array<i64: 1, 32>}, {transform_indices = @transform_4, window_bounds = array<i64: 35840>}, {transform_indices = @transform_5, window_bounds = array<i64: 35840>}]} {
    %get3A = arith.constant 0 : index
    %get3A_0 = arith.constant 0 : index
    %get3A_1 = vector.load %arg3[%get3A, %get3A_0] : memref<1x32xf32, #tpu.memory_space<vmem>>, vector<1x32xf32>
    %get3A_2 = arith.constant 0 : index
    %get3A_3 = arith.constant 0 : index
    %get3A_4 = vector.load %arg1[%get3A_2, %get3A_3] : memref<32x35840xf32, #tpu.memory_space<vmem>>, vector<32x35840xf32>
    %dot_general3A = arith.constant dense<0.000000e+00> : vector<1x35840xf32>
    %dot_general3A_5 = tpu.matmul %get3A_1, %get3A_4, %dot_general3A {dimension_numbers = #tpu.dot_dimension_numbers<[1], [0], [0], [1], [0, 0, 1, 1], [], []>, transpose_lhs_hint = false} : vector<1x32xf32>, vector<32x35840xf32>, vector<1x35840xf32> -> vector<1x35840xf32>
    %squeeze3A = vector.shape_cast %dot_general3A_5 : vector<1x35840xf32> to vector<35840xf32>
    %swap3A = arith.constant 0 : index
    %swap3A_6 = vector.load %arg5[%swap3A] : memref<35840xf32, #tpu.memory_space<vmem>>, vector<35840xf32>
    tpu.vector_store %arg5[%swap3A], %squeeze3A {strides = array<i32>} : memref<35840xf32, #tpu.memory_space<vmem>>, vector<35840xf32>,
    %get3A_7 = arith.constant 0 : index
    %get3A_8 = arith.constant 0 : index
    %get3A_9 = vector.load %arg4[%get3A_7, %get3A_8] : memref<1x32xf32, #tpu.memory_space<vmem>>, vector<1x32xf32>
    %get3A_10 = arith.constant 0 : index
    %get3A_11 = arith.constant 0 : index
    %get3A_12 = vector.load %arg2[%get3A_10, %get3A_11] : memref<32x35840xf32, #tpu.memory_space<vmem>>, vector<32x35840xf32>
    %dot_general3A_13 = arith.constant dense<0.000000e+00> : vector<1x35840xf32>
    %dot_general3A_14 = tpu.matmul %get3A_9, %get3A_12, %dot_general3A_13 {dimension_numbers = #tpu.dot_dimension_numbers<[1], [0], [0], [1], [0, 0, 1, 1], [], []>, transpose_lhs_hint = false} : vector<1x32xf32>, vector<32x35840xf32>, vector<1x35840xf32> -> vector<1x35840xf32>
    %squeeze3A_15 = vector.shape_cast %dot_general3A_14 : vector<1x35840xf32> to vector<35840xf32>
    %swap3A_16 = arith.constant 0 : index
    %swap3A_17 = vector.load %arg6[%swap3A_16] : memref<35840xf32, #tpu.memory_space<vmem>>, vector<35840xf32>
    tpu.vector_store %arg6[%swap3A_16], %squeeze3A_15 {strides = array<i32>} : memref<35840xf32, #tpu.memory_space<vmem>>, vector<35840xf32>,
    return
  }
  func.func @transform_0(%arg0: i32) -> (i32, i32) {
    %c0_i32 = arith.constant 0 : i32
    %c0_i32_0 = arith.constant 0 : i32
    return %c0_i32, %arg0 : i32, i32
  }
  func.func @transform_1(%arg0: i32) -> (i32, i32) {
    %c0_i32 = arith.constant 0 : i32
    %c0_i32_0 = arith.constant 0 : i32
    return %c0_i32, %arg0 : i32, i32
  }
  func.func @transform_2(%arg0: i32) -> (i32, i32) {
    %c0_i32 = arith.constant 0 : i32
    %c0_i32_0 = arith.constant 0 : i32
    %c0_i32_1 = arith.constant 0 : i32
    return %c0_i32, %c0_i32_0 : i32, i32
  }
  func.func @transform_3(%arg0: i32) -> (i32, i32) {
    %c0_i32 = arith.constant 0 : i32
    %c0_i32_0 = arith.constant 0 : i32
    %c0_i32_1 = arith.constant 0 : i32
    return %c0_i32, %c0_i32_0 : i32, i32
  }
  func.func @transform_4(%arg0: i32) -> i32 {
    %c0_i32 = arith.constant 0 : i32
    return %arg0 : i32
  }
  func.func @transform_5(%arg0: i32) -> i32 {
    %c0_i32 = arith.constant 0 : i32
    return %arg0 : i32
  }
}

</mosaic_0001>

<sc_bundles>
// kernel: kernel.4.cloned.1.call-start
scs
__scs_entry_jumppad:
0x0: {  	(pc) =	sbr.rel $0x88, $3  }
0x1: {  	(tag) =	ssettag $0x0;
	lr =	simm.s32 $0x1  }
0x2: {  	[smem:$0x3F9B] =	sst lr;
	_ =	strace $0xD0000000  }
0x3: {  	_ = 	snop  }
0x4: {  	_ = 	snop  }
0x5: {  	_ = 	snop  }
0x6: {  	_ = 	snop  }
0x7: {  	_ = 	snop  }
__scs_overlays_trampoline_lowered:
0x8: {  	[smem:$0x3FAA] =	sst s0  }
0x9: {  	[smem:$0x3FAB] =	sst s1  }
0xa: {  	[smem:$0x3FAC] =	sst s2  }
0xb: {  	[smem:$0x3FAD] =	sst s3  }
0xc: {  	[smem:$0x3FAE] =	sst s4  }
0xd: {  	[smem:$0x3FAF] =	sst s5  }
0xe: {  	[smem:$0x3FB0] =	sst s6  }
0xf: {  	[smem:$0x3FB1] =	sst s7  }
0x10: {  	[smem:$0x3FB2] =	sst s8  }
0x11: {  	[smem:$0x3FB3] =	sst s9;
	s0 =	simm.s32 @!p0 $0x0  }
0x12: {  	s1 =	sld [smem:$0x3F99];
	s0 =	simm.s32 @p0 $0x1  }
0x13: {  	[smem:$0x3FB4] =	sst s0;
	s0 =	simm.s32 @!p1 $0x0  }
0x14: {  	s2 =	sld [smem:$0x3F98];
	s0 =	simm.s32 @p1 $0x1  }
0x15: {  	[smem:$0x3FB5] =	sst s0;
	s0 =	simm.s32 @!p2 $0x0  }
0x16: {  	s3 =	sld [smem:$0x3FDB];
	s0 =	simm.s32 @p2 $0x1  }
0x17: {  	s4 =	simm.s32 $0x1BF5;
	[smem:$0x3FB7] =	sst s0  }
0x18: {  	s0 =	sld [smem:$0x3F9A];
	_ =	swait.ge [sflag:s4], $0x0  }
0x19: {  	s7 =	sld [smem:$0x3F9B]  }
0x1a: {  	s8 =	sadd.s32 $0xFFFFE003, lr  }
0x1b: {  	s9 =	sadd.s32 $0xFFFFFEF7, lr;
	s5 =	simm.s32 $0xFFFFFFFF;
	p2 =	slt.u32 s8, $0xFFFFF086  }
0x1c: {  	p1 =	slt.u32 s9, $0xF7A;
	s5 =	simm.s32 @!p2 $0x0  }
0x1d: {  	s5 =	simm.s32 @p1 $0x1;
	p0 =	seq.s32 s7, s2  }
0x1e: {  	s7 =	smul.u32 @!p0 $0xF7A, s2;
	p2 =	seq.s32 @!p0 s5, $0x0  }
0x1f: {  	s9 =	smul.u32 $0xF7A, s1;
	s8 =	simm.s32 @!p0 $0x1BF5;
	p2 =	por !p2, p0  }
0x20: {  	[sflag:s8] =	ssyncset.s32 @!p0 $0xFFFFF086;
	s6 =	sadd.s32 @!p0 s3, s7;
	s7 =	simm.s32 @!p0 $0x108  }
0x21: {  	s3 =	sadd.s32 s3, s9;
	s6 =	sadd.s32 @!p0 $0x88, s6;
	s7 =	simm.s32 @p2 $0x1082  }
0x22: {  	[simem:s7], [sflag:s8] =	dma.local @!p0 [hbm:s6], $0xF7A  }
0x23: {  	s9 =	sor.u32 $0xD0000000, s2;
	s6 =	simm.s32 $0x108;
	_ =	swait.ge @!p0 [sflag:s8], $0x0  }
0x24: {  	s3 =	sadd.s32 $0x88, s3;
	s6 =	simm.s32 @!p1 $0x1082;
	[sflag:s4] =	ssyncset.s32 $0xFFFFF086  }
0x25: {  	[simem:s6], [sflag:s4] =	dma.local [hbm:s3], $0xF7A  }
0x26: {  	[smem:$0x3F9B] =	sst s1;
	(tag) =	ssettag s2;
	_ =	strace s9  }
0x27: {  	s1 =	sld [smem:$0x3FAB]  }
0x28: {  	s2 =	sld [smem:$0x3FAC]  }
0x29: {  	s4 =	sld [smem:$0x3FAE]  }
0x2a: {  	p0 =	seq.s32 s5, $0x0;
	s5 =	sld [smem:$0x3FAF]  }
0x2b: {  	s6 =	sld [smem:$0x3FB0]  }
0x2c: {  	s7 =	sld [smem:$0x3FB1]  }
0x2d: {  	s3 =	simm.s32 $0x108;
	s8 =	sld [smem:$0x3FB2]  }
0x2e: {  	s3 =	simm.s32 @!p0 $0x1082;
	s9 =	sld [smem:$0x3FB3]  }
0x2f: {  	lr =	sadd.s32 s0, s3;
	s0 =	sld [smem:$0x3FAA]  }
0x30: {  	s3 =	sld [smem:$0x3FAD]  }
0x31: {  	[smem:$0x3FB6] =	sst s10  }
0x32: {  	s10 =	sld [smem:$0x3FB4];
	_ =	sdelay $0x3  }
0x33: {  	p0 =	seq.s32 s10, $0x1;
	s10 =	sld [smem:$0x3FB6];
	_ =	sdelay $0x3  }
0x34: {  	[smem:$0x3FB6] =	sst s10  }
0x35: {  	s10 =	sld [smem:$0x3FB5];
	_ =	sdelay $0x3  }
0x36: {  	p1 =	seq.s32 s10, $0x1;
	s10 =	sld [smem:$0x3FB6];
	_ =	sdelay $0x3  }
0x37: {  	[smem:$0x3FB6] =	sst s10  }
0x38: {  	s10 =	sld [smem:$0x3FB7]  }
0x39: {  	_ = 	snop;
	(pc) =	sbr.ind lr, $3  }
0x3a: {  	_ = 	snop  }
0x3b: {  	_ = 	snop  }
0x3c: {  	p2 =	seq.s32 s10, $0x1;
	s10 =	sld [smem:$0x3FB6]  }
0x3d: {  	_ =	shalt  }
0x3e: {  	_ =	shalt  }
0x3f: {  	_ =	shalt  }
0x40: {  	_ =	shalt  }
0x41: {  	_ =	shalt  }
0x42: {  	_ =	shalt  }
0x43: {  	_ =	shalt  }
0x44: {  	_ =	shalt  }
0x45: {  	_ =	shalt  }
0x46: {  	_ =	shalt  }
0x47: {  	_ =	shalt  }
0x48: {  	_ =	shalt  }
0x49: {  	_ =	shalt  }
0x4a: {  	_ =	shalt  }
0x4b: {  	_ =	shalt  }
0x4c: {  	_ =	shalt  }
0x4d: {  	_ =	shalt  }
0x4e: {  	_ =	shalt  }
0x4f: {  	_ =	shalt  }
0x50: {  	_ =	shalt  }
0x51: {  	_ =	shalt  }
0x52: {  	_ =	shalt  }
0x53: {  	_ =	shalt  }
0x54: {  	_ =	shalt  }
0x55: {  	_ =	shalt  }
0x56: {  	_ =	shalt  }
0x57: {  	_ =	shalt  }
0x58: {  	_ =	shalt  }
0x59: {  	_ =	shalt  }
0x5a: {  	_ =	shalt  }
0x5b: {  	_ =	shalt  }
0x5c: {  	_ =	shalt  }
0x5d: {  	_ =	shalt  }
0x5e: {  	_ =	shalt  }
0x5f: {  	_ =	shalt  }
0x60: {  	_ =	shalt  }
0x61: {  	_ =	shalt  }
0x62: {  	_ =	shalt  }
0x63: {  	_ =	shalt  }
0x64: {  	_ =	shalt  }
0x65: {  	_ =	shalt  }
0x66: {  	_ =	shalt  }
0x67: {  	_ =	shalt  }
0x68: {  	_ =	shalt  }
0x69: {  	_ =	shalt  }
0x6a: {  	_ =	shalt  }
0x6b: {  	_ =	shalt  }
0x6c: {  	_ =	shalt  }
0x6d: {  	_ =	shalt  }
0x6e: {  	_ =	shalt  }
0x6f: {  	_ =	shalt  }
0x70: {  	_ =	shalt  }
0x71: {  	_ =	shalt  }
0x72: {  	_ =	shalt  }
0x73: {  	_ =	shalt  }
0x74: {  	_ =	shalt  }
0x75: {  	_ =	shalt  }
0x76: {  	_ =	shalt  }
0x77: {  	_ =	shalt  }
0x78: {  	_ =	shalt  }
0x79: {  	_ =	shalt  }
0x7a: {  	_ =	shalt  }
0x7b: {  	_ =	shalt  }
0x7c: {  	_ =	shalt  }
0x7d: {  	_ =	shalt  }
0x7e: {  	_ =	shalt  }
0x7f: {  	_ =	shalt  }
0x80: {  	_ =	shalt  }
0x81: {  	_ =	shalt  }
0x82: {  	_ =	shalt  }
0x83: {  	_ =	shalt  }
0x84: {  	_ =	shalt  }
0x85: {  	_ =	shalt  }
0x86: {  	_ =	shalt  }
0x87: {  	_ =	shalt  }
.Lfunc_end0:
.L_simem_size_0:
called_computation_lowered:
.L_overlay_start_0:
0x88: {  	s2 =	sld [smem:$0x3FD9]  }
0x89: {  	s3 =	sld [smem:$0x3FFE];
	_ =	sdelay $0x1  }
0x8a: {  	s1 =	srdreg.scid  }
0x8b: {  	s0 =	sand.u32 $0x1, s1  }
0x8c: {  	s17 =	sshll.u32 s0, $0xA;
	s2 =	sadd.s32 s3, s2  }
0x8d: {  	s2 =	sadd.s32 s2, s17  }
0x8e: {  	[smem:$0x3FC2] =	sst s2  }
0x8f: {  	_ = 	snop  }
0x90: {  	s2 =	sld [smem:$0x3FC9]  }
0x91: {  	s18 =	sld [smem:$0x3FC8]  }
0x92: {  	s4 =	sld [smem:$0x3FD0];
	(tm) =	ssettm $0x1  }
0x93: {  	s5 =	sld [smem:$0x3FFB];
	_ =	sdelay $0x3  }
0x94: {  	_ =	strace s5  }
0x95: {  	s5 =	sld [smem:$0x3FFC];
	_ =	sdelay $0x3  }
0x96: {  	_ =	strace s5  }
0x97: {  	s5 =	sld [smem:$0x3FFD];
	_ =	sdelay $0x3  }
0x98: {  	_ =	strace s5  }
0x99: {  	_ =	strace $0x8FFFFFFF  }
0x9a: {  	s19 =	sld [smem:$0x3FDB];
	_ =	sdelay $0x1  }
0x9b: {  	s6 =	simm.s32 $_scs_section_size  }
0x9c: {  	s7 =	simm.s32 $_size__tile_overlayer_lowered;
	s8 =	simm.s32 $_tile_overlayer_lowered  }
0x9d: {  	s22 =	simm.s32 $0x1BFF;
	s21 =	sshll.u32 s8, $0x1;
	s5 =	sadd.s32 s6, s19  }
0x9e: {  	s9 =	simm.s32 $0x0;
	s20 =	sshll.u32 s7, $0x1;
	s7 =	sadd.s32 s21, s5  }
0x9f: {  	[timem:s9], [sflag:s22] =	dma.local [hbm:s7], s20  }
0xa0: {  	_ =	swait.ge [sflag:s22], s20  }
0xa1: {  	s6 =	ssub.s32 $0x0, s20;
	[sflag:s22] =	ssyncset.done $0x0  }
0xa2: {  	[sflag:s22] =	ssyncadd.s32 s6;
	_ =	sdelay $0x1  }
0xa3: {  	s23 =	simm.s32 $0x1B8B  }
0xa4: {  	_ =	swait.ge [sflag:s23], $0x1  }
0xa5: {  	[sflag:s23] =	ssyncset.done $0x0  }
0xa6: {  	s25 =	simm.s32 $0x1B8E;
	s24 =	sld [smem:$0x3FFE];
	[sflag:s23] =	ssyncadd.s32 $0xFFFFFFFF  }
0xa7: {  	s26 =	simm.s32 $execute0_lowered;
	[smem:$0x3FD2] =	sst s25  }
0xa8: {  	s7 =	sshll.u32 s26, $0x1;
	_ =	strace $0x80000046;
	[dreg:$0x1] =	wrdreg $0xFFFFFFFF  }
0xa9: {  	s28 =	simm.s32 $_size_execute0_lowered;
	s5 =	sadd.s32 s5, s7;
	[dreg:$0x0] =	wrdreg $0x0  }
0xaa: {  	s7 =	sshll.u32 s28, $0x1;
	[dreg:$0x2] =	wrdreg s5  }
0xab: {  	[dreg:$0x3] =	wrdreg s7  }
0xac: {  	[dreg:$0x4] =	wrdreg $0xC0  }
0xad: {  	_ =	task [dreg:s9], $0x5FFFF  }
0xae: {  	[dreg:$0x1] =	wrdreg $0xFFFFFFFF  }
0xaf: {  	[dreg:$0x0] =	wrdreg $0x60  }
0xb0: {  	[dreg:$0x2] =	wrdreg s2  }
0xb1: {  	[dreg:$0x3] =	wrdreg s18  }
0xb2: {  	[dreg:$0x4] =	wrdreg s24  }
0xb3: {  	[dreg:$0x5] =	wrdreg s4  }
0xb4: {  	[dreg:$0x6] =	wrdreg $0x9  }
0xb5: {  	_ =	task.clear_ibuf [dreg:s9], $0x7FFFF;
	_ =	strace $0x90000046  }
0xb6: {  	s29 =	simm.s32 $0x9;
	_ =	strace $0x80000048  }
0xb7: {  	_ =	swait.ge [sflag:s29], $0x1  }
0xb8: {  	[sflag:s29] =	ssyncadd.s32 $0xFFFFFFFF  }
0xb9: {  	_ =	strace $0x90000048  }
0xba: {  	_ =	sfence  }
0xbb: {  	s30 =	sld [smem:$0x0];
	_ =	sdelay $0x2  }
0xbc: {  	s31 =	sshll.u32 s1, $0xD;
	s1 =	sshrl.u32 s1, $0x2  }
0xbd: {  	s3 =	sand.u32 $0x4000, s31;
	s1 =	sadd.s32 s1, s30  }
0xbe: {  	s0 =	sor.u32 s3, s0;
	s1 =	sshll.u32 s1, $0x11  }
0xbf: {  	s0 =	sor.u32 s1, s0  }
0xc0: {  	s0 =	sadd.s32 $0x8F2B, s0  }
0xc1: {  	[sflag:s0] =	ssyncadd.remote.s32 $0x1  }
0xc2: {  	_ =	sfence.sel $0xFFFF  }
0xc3: {  	[dreg:$0x0] =	wrdreg $0xFFFFFFFF;
	(pc) =	sbr.abs _section_cstart, $3  }
0xc4: {  	[dreg:$0x1] =	wrdreg $0xFFFFFFFF  }
0xc5: {  	_ =	task.clear_ibuf [dreg:s9], $0x2FFFF;
	_ =	strace $0x9FFFFFFF  }
0xc6: {  	(tm) =	ssettm $0x7FFFFFFF  }
0xc7: {  	_ =	shalt  }
tec
execute0_lowered:
.L_overlay_start_1:
0x0: {  	(tag) =	ssettag $0x1  }
0x1: {  	s6 =	rddreg [dreg:$0x0]  }
0x2: {  	s7 =	rddreg [dreg:$0x1]  }
0x3: {  	s5 =	rddreg [dreg:$0x2]  }
0x4: {  	s8 =	rddreg [dreg:$0x3]  }
0x5: {  	s0 =	rddreg [dreg:$0x4];
	s1 =	simm.s32 $0x0  }
0x6: {  	s4 =	srdreg.scid;
	s2 =	stileid.u32;
	s13 =	simm.s32 $0x600  }
0x7: {  	s14 =	simm.s32 $0x800;
	s15 =	simm.s32 $0x1;
	s16 =	simm.s32 $0x2  }
0x8: {  	s17 =	simm.s32 $0x880;
	s18 =	simm.s32 $0x0;
	[smem:$0x7FF] =	sst s1  }
0x9: {  	s3 =	sadd.s32 $0xC00, s5;
	s4 =	sand.u32 $0x1, s4;
	s10 =	sshll.u32 s2, $0x7  }
0xa: {  	_ =	strace $0x80000047;
	s9 =	ssub.s32 $0x2, s4;
	s11 =	sshll.u32 s4, $0x6  }
0xb: {  	s4 =	sadd.s32 $0x1F600, s5;
	s5 =	sadd.s32 $0x3E000, s5;
	s12 =	sshrl.u32 s9, $0x1  }
0xc: {  	s10 =	sor.u32 s11, s10;
	s11 =	simm.s32 $0x200;
	s9 =	ssub.s32 s9, s12  }
0xd: {  	s6 =	sadd.s32 s6, s10;
	s7 =	sadd.s32 s7, s10;
	s8 =	sadd.s32 s8, s10  }
0xe: {  	s10 =	simm.s32 $0x3;
	s12 =	simm.s32 $0x400;
	s9 =	smax.u32 s9, $0x1  }
.LBB2_1:
0xf: {  	[tilespmem:s1], [sflag:$0x3] =	stream.linear.gather [hbm4b:s6+s1], $0x200, $0x38;
	[tilespmem:$0xA80] =	vst v63  }
0x10: {  	_ =	swait.ge [sflag:s10], $0x200  }
0x11: {  	[sflag:s10] =	ssyncset.done $0x0  }
0x12: {  	[sflag:s10] =	ssyncadd.s32 $0xFFFFFE00  }
0x13: {  	[tilespmem:s11], [sflag:$0x3] =	stream.linear.gather [hbm4b:s7+s1], $0x200, $0x38;
	[tilespmem:$0xA80] =	vst v63  }
0x14: {  	_ =	swait.ge [sflag:s10], $0x200  }
0x15: {  	[sflag:s10] =	ssyncset.done $0x0  }
0x16: {  	[sflag:s10] =	ssyncadd.s32 $0xFFFFFE00  }
0x17: {  	[tilespmem:s12], [sflag:$0x1] =	stream.indirect.gather [hbm4b:s3+s11], $0x1, s1, s11, $0xb8;
	[tilespmem:$0xA80] =	vst v63  }
0x18: {  	_ = 	snop  }
0x19: {  	[tilespmem:s13], [sflag:$0x2] =	stream.indirect.gather [hbm4b:s4+s11], $0x1, s11, s11, $0xb8;
	[tilespmem:$0xA80] =	vst v63  }
0x1a: {  	_ = 	snop  }
0x1b: {  	[tilespmem:s14], [sflag:$0x3] =	stream.linear.gather [hbm4b:s5+s1], $0x80, $0x38;
	[tilespmem:$0xA80] =	vst v63  }
0x1c: {  	_ =	swait.ge [sflag:s10], $0x80  }
0x1d: {  	[sflag:s10] =	ssyncset.done $0x0  }
0x1e: {  	[sflag:s10] =	ssyncadd.s32 $0xFFFFFF80  }
0x1f: {  	_ =	swait.ge [sflag:s15], $0x200  }
0x20: {  	[sflag:s15] =	ssyncset.done $0x0  }
0x21: {  	[sflag:s15] =	ssyncadd.s32 $0xFFFFFE00  }
0x22: {  	_ =	swait.ge [sflag:s16], $0x200  }
0x23: {  	[sflag:s16] =	ssyncset.done $0x0  }
0x24: {  	s19 =	simm.s32 $0x0;
	[sflag:s16] =	ssyncadd.s32 $0xFFFFFE00  }
0x25: {  	v0 =	vld [tilespmem:s19+$0x400]  }
0x26: {  	v1 =	vld [tilespmem:s19+$0x600];
	_ =	sdelay $0x1  }
0x27: {  	v2 =	vld [tilespmem:$0x800];
	_ =	sdelay $0x2  }
0x28: {  	v1 =	vadd.f32 v1, v0  }
0x29: {  	s20 =	simm.s32 $0x10  }
0x2a: {  	s21 =	simm.s32 $0x80;
	v0 =	vld [tilespmem:s20+$0x400];
	v1 =	vadd.f32 v2, v1  }
.LBB2_2:
0x2b: {  	p0 =	sne.s32 s21, $0x7C0;
	v2 =	vld [tilespmem:s20+$0x600]  }
0x2c: {  	[tilespmem:s19+$0x880] =	vst v1;
	s19 =	smov.u32 s20  }
0x2d: {  	v1 =	vld [tilespmem:$0x800]  }
.Ltmp0:
0x2e: {  	(pc) =	sbr.rel @p0 .LBB2_2-.Ltmp0, $4  }
0x2f: {  	_ = 	snop  }
0x30: {  	v2 =	vadd.f32 v2, v0  }
0x31: {  	s20 =	sshra.s32 s21, $0x2  }
0x32: {  	s21 =	sadd.s32 $0x40, s21;
	v0 =	vld [tilespmem:s20+$0x400];
	v1 =	vadd.f32 v1, v2  }
0x33: {  	v2 =	vld [tilespmem:s20+$0x600]  }
0x34: {  	[tilespmem:s19+$0x880] =	vst v1  }
0x35: {  	v1 =	vld [tilespmem:$0x800];
	_ =	sdelay $0x2  }
0x36: {  	v0 =	vadd.f32 v2, v0;
	_ =	sdelay $0x1  }
0x37: {  	s18 =	sadd.s32 $0x1, s18;
	v0 =	vadd.f32 v1, v0  }
0x38: {  	p0 =	sne.s32 s18, s9  }
.Ltmp1:
0x39: {  	[tilespmem:s20+$0x880] =	vst v0;
	(pc) =	sbr.rel @p0 .LBB2_1-.Ltmp1, $4  }
0x3a: {  	[hbm4b:s8+s1] =	stream.linear.scatter [tilespmem:s17], [sflag:$0x3], $0x200, $0x38;
	[tilespmem:$0xA80] =	vst v63  }
0x3b: {  	_ =	swait.ge [sflag:s10], $0x200  }
0x3c: {  	[sflag:s10] =	ssyncset.done $0x0  }
0x3d: {  	[sflag:s10] =	ssyncadd.s32 $0xFFFFFE00  }
0x3e: {  	_ =	sfence.sel $0x180000  }
0x3f: {  	[bflag:$0x0] =	sbarrier.arrive $0xFFFF  }
0x40: {  	p0 =	sne.s32 s2, $0x0;
	_ =	strace $0x90000047  }
0x41: {  	s0 =	sadd.s32 @!p0 $0x100000, s0;
	[bflag:$0x2] =	sbarrier.arrive $0xFFFF  }
0x42: {  	[sflag:s0] =	ssyncadd.tile.s32 @!p0 $0x1;
	_ =	shalt  }
.Lfunc_end2:
_tile_overlayer_lowered:
.L_overlay_start_2:
0x43: {  	(tag) =	ssettag $0x2  }
0x44: {  	s0 =	rddreg [dreg:$0x0];
	s2 =	stileid.u32  }
0x45: {  	s1 =	rddreg [dreg:$0x1];
	p0 =	sne.s32 s2, $0x0  }
0x46: {  	s3 =	rddreg [dreg:$0x2];
	[bflag:$0x3] =	sbarrier.arrive $0xFFFF;
	s2 =	simm.s32 @!p0 $0x1C03  }
0x47: {  	[timem:s3], [sflag:s2] =	dma.local @!p0 [hbm:s0], s1  }
0x48: {  	s0 =	simm.s32 @!p0 $0x3  }
0x49: {  	_ =	swait.ge @!p0 [sflag:s0], s1  }
0x4a: {  	s1 =	ssub.s32 @!p0 $0x0, s1;
	[sflag:s0] =	ssyncset.done @!p0 $0x0  }
0x4b: {  	[sflag:s0] =	ssyncadd.s32 @!p0 s1  }
0x4c: {  	[bflag:$0x3] =	sbarrier.arrive $0xFFFF  }
0x4d: {  	_ =	shalt  }

</sc_bundles>
